<compile_context>
chip_gen: v7x
topology: tpu7x:2x2x1
jax: 0.10.2.dev20260603
libtpu: 0.0.44.dev20260713+nightly
codegen_flags: <defaults>
</compile_context>

<pallas_src>
import dataclasses
import functools

import jax
import jax.numpy as jnp
from jax import lax
from jax.experimental import pallas as pl
from jax.experimental.pallas import tpu as pltpu
from jax.experimental.pallas import tpu_sc as plsc

NC = 2
NS = 16
NW = NC * NS
LANES = 16
NCLS = 3
CPAD = 8
VOCAB_PAD = 1024
UNROLL = 4


def _tw_body(table_ref, w_ref, b_ref, out_ref, *, inv_len):
    tw = lax.dot_general(
        w_ref[...], table_ref[...],
        (((1,), (1,)), ((), ())),
        preferred_element_type=jnp.float32,
    )
    out_ref[...] = (tw + b_ref[...]) * inv_len


def _compute_tw(table, W, b, seq_len):
    wd = jnp.stack([W[0] - W[2], W[1] - W[2]])
    bd = jnp.stack([b[0] - b[2], b[1] - b[2]])
    vocab = table.shape[0]
    tablep = jnp.pad(table, ((0, VOCAB_PAD - vocab), (0, 0)))
    wp = jnp.pad(wd, ((0, CPAD - 2), (0, 0)))
    bp = jnp.pad(bd, (0, CPAD - 2)).reshape(CPAD, 1)
    return pl.pallas_call(
        functools.partial(_tw_body, inv_len=1.0 / seq_len),
        out_shape=jax.ShapeDtypeStruct((CPAD, VOCAB_PAD), jnp.float32),
    )(tablep, wp, bp)


def _make_sc_forward(batch, seq_pk):
    b_per_w = batch // NW
    n_groups = b_per_w // LANES
    chunk = b_per_w * seq_pk
    n_steps = seq_pk // UNROLL

    mesh = plsc.VectorSubcoreMesh(core_axis_name="c", subcore_axis_name="s")
    cp = pltpu.CompilerParams()
    if "needs_layout_passes" in pltpu.CompilerParams.__dataclass_fields__:
        cp = dataclasses.replace(cp, needs_layout_passes=False)

    @functools.partial(
        pl.kernel,
        mesh=mesh,
        compiler_params=cp,
        out_type=jax.ShapeDtypeStruct((batch * NCLS,), jnp.float32),
        scratch_types=[
            pltpu.VMEM((VOCAB_PAD,), jnp.float32),
            pltpu.VMEM((VOCAB_PAD,), jnp.float32),
            pltpu.VMEM((chunk,), jnp.int32),
            pltpu.VMEM((b_per_w * NCLS,), jnp.float32),
        ],
    )
    def sc_forward(tw_hbm, x_hbm, out_hbm, d0, d1, xv, ov):
        wid = lax.axis_index("s") * NC + lax.axis_index("c")
        base = wid * chunk
        pltpu.sync_copy(tw_hbm.at[0], d0)
        pltpu.sync_copy(tw_hbm.at[1], d1)
        pltpu.sync_copy(x_hbm.at[pl.ds(base, chunk)], xv)
        lanes = lax.iota(jnp.int32, LANES)

        @pl.loop(0, n_groups)
        def _group(g):
            rows = g * LANES + lanes
            addr0 = rows * seq_pk

            def body(i, accs):
                a0, a1 = accs
                packs = [
                    plsc.load_gather(xv, [addr0 + (i * UNROLL + u)])
                    for u in range(UNROLL)
                ]
                idxs = []
                for v in packs:
                    idxs.append(jnp.bitwise_and(v, 0xFFFF))
                    idxs.append(lax.shift_right_logical(v, 16))
                for idx in idxs:
                    a0 = a0 + plsc.load_gather(d0, [idx])
                    a1 = a1 + plsc.load_gather(d1, [idx])
                return a0, a1

            z = jnp.zeros((LANES,), jnp.float32)
            a0, a1 = lax.fori_loop(0, n_steps, body, (z, z))

            m = jnp.maximum(jnp.maximum(a0, a1), 0.0)
            e0 = jnp.exp(a0 - m)
            e1 = jnp.exp(a1 - m)
            e2 = jnp.exp(-m)
            r = 1.0 / (e0 + e1 + e2)
            oaddr = rows * NCLS
            plsc.store_scatter(ov, [oaddr], e0 * r)
            plsc.store_scatter(ov, [oaddr + 1], e1 * r)
            plsc.store_scatter(ov, [oaddr + 2], e2 * r)

        pltpu.sync_copy(ov, out_hbm.at[pl.ds(wid * b_per_w * NCLS, b_per_w * NCLS)])

    return sc_forward


def kernel(sentenceX, table, W, b):
    batch, seq_len = sentenceX.shape
    half = seq_len // 2
    tw = _compute_tw(table, W, b, seq_len)
    x = sentenceX.astype(jnp.int32)
    x_pk = jnp.bitwise_or(x[:, :half], x[:, half:] << 16).reshape(-1)
    out_flat = _make_sc_forward(batch, half)(tw, x_pk)
    return out_flat.reshape(batch, NCLS)

# --- scband reference (transcript-rebuilt; emitter-appended) ---
"""Pipeline reference for scband-torch-model-w2-14362370638559 (READ-ONLY COPY).

The authoritative reference and input builder live on the scoring server;
editing this copy changes nothing except your own understanding.
"""

import jax, jax.numpy as jnp
import numpy as np

VOCAB = 1000
EMBED_DIM = 128
BATCH = 16384
CHAR_NUMBER = 200


def setup_inputs(seed: int = 0) -> dict:
    key = jax.random.key(seed)
    k1, k2, k3, k4 = jax.random.split(key, 4)
    sentenceX = jax.random.randint(k1, (BATCH, CHAR_NUMBER), 0, VOCAB, dtype=jnp.int64 if jax.config.jax_enable_x64 else jnp.int32)
    table = jax.random.normal(k2, (VOCAB, EMBED_DIM), dtype=jnp.float32)
    bound = 1.0 / np.sqrt(EMBED_DIM)
    W = jax.random.uniform(k3, (3, EMBED_DIM), dtype=jnp.float32, minval=-bound, maxval=bound)
    b = jax.random.uniform(k4, (3,), dtype=jnp.float32, minval=-bound, maxval=bound)
    return {"sentenceX": sentenceX, "table": table, "W": W, "b": b}


def reference(sentenceX, table, W, b):
    # nn.Embedding lookup: gather rows -> [B, L, D]
    emb = jnp.take(table, sentenceX, axis=0)
    # transpose(1,2) then AvgPool1d(charNumber) then squeeze == mean over sequence dim
    pooled = jnp.mean(emb, axis=1)  # [B, D]
    # Linear classify to 3 classes
    logits = pooled @ W.T + b  # [B, 3]
    # softmax along dim 1
    return jax.nn.softmax(logits, axis=1)

if __name__ == "__main__":
    import jax
    _d = setup_inputs()
    print(jax.jit(kernel)(*tuple(_d.values())))

</pallas_src>

<mosaic_0001>
#map = affine_map<(d0, d1) -> (0, 0)>
#map1 = affine_map<(d0, d1) -> (0)>
module attributes {stable_mosaic.version = 14 : i64} {
  func.func @sc_forward(%arg0: i32, %arg1: i32, %arg2: memref<8x1024xf32, #tpu.memory_space<hbm>>, %arg3: memref<1638400xi32, #tpu.memory_space<hbm>>, %arg4: memref<49152xf32, #tpu.memory_space<hbm>>, %arg5: memref<1024xf32, #tpu.memory_space<vmem>>, %arg6: memref<1024xf32, #tpu.memory_space<vmem>>, %arg7: memref<51200xi32, #tpu.memory_space<vmem>>, %arg8: memref<1536xf32, #tpu.memory_space<vmem>>) attributes {dimension_semantics = [#tpu.dimension_semantics<core_parallel>, #tpu.dimension_semantics<subcore_parallel>], iteration_bounds = array<i64: 2, 16>, scalar_prefetch = 0 : i64, scratch_operands = 4 : i64, tpu.core_type = #tpu.core_type<sc_vector_subcore>, window_params = [{transform_indices = #map}, {transform_indices = #map1}, {transform_indices = #map1}]} {
    %mul3A = arith.constant 2 : i32
    %mul3A_0 = arith.muli %arg1, %mul3A : i32
    %add3A = arith.addi %mul3A_0, %arg0 : i32
    %mul3A_1 = arith.constant 51200 : i32
    %mul3A_2 = arith.muli %add3A, %mul3A_1 : i32
    %run_scoped3A = arith.constant 0 : i32
    "tpu.region"() ({
      %run_scoped3A_12 = tpu.sem_alloc : memref<!tpu.dma_semaphore, #tpu.memory_space<semaphore_mem>>
      %dma_start3A = arith.constant 0 : i32
      %dma_start3A_13 = tpu.memref_slice %arg2[%run_scoped3A, %dma_start3A] : memref<8x1024xf32, #tpu.memory_space<hbm>> -> memref<1x1024xf32, #tpu.memory_space<hbm>>
      %dma_start3A_14 = tpu.memref_squeeze %dma_start3A_13 : memref<1x1024xf32, #tpu.memory_space<hbm>> -> memref<1024xf32, #tpu.memory_space<hbm>>
      %dma_start3A_15 = arith.constant 0 : i32
      %dma_start3A_16 = tpu.memref_slice %arg2[%run_scoped3A, %dma_start3A_15] : memref<8x1024xf32, #tpu.memory_space<hbm>> -> memref<1x1024xf32, #tpu.memory_space<hbm>>
      %dma_start3A_17 = tpu.memref_squeeze %dma_start3A_16 : memref<1x1024xf32, #tpu.memory_space<hbm>> -> memref<1024xf32, #tpu.memory_space<hbm>>
      tpu.enqueue_dma source(%dma_start3A_17 : memref<1024xf32, #tpu.memory_space<hbm>>) target(%arg5 : memref<1024xf32, #tpu.memory_space<vmem>>) target_semaphore(%run_scoped3A_12 : memref<!tpu.dma_semaphore, #tpu.memory_space<semaphore_mem>>)
      %dma_wait3A = arith.constant 0 : i32
      %dma_wait3A_18 = tpu.memref_slice %arg2[%run_scoped3A, %dma_wait3A] : memref<8x1024xf32, #tpu.memory_space<hbm>> -> memref<1x1024xf32, #tpu.memory_space<hbm>>
      %dma_wait3A_19 = tpu.memref_squeeze %dma_wait3A_18 : memref<1x1024xf32, #tpu.memory_space<hbm>> -> memref<1024xf32, #tpu.memory_space<hbm>>
      %dma_wait3A_20 = arith.constant 0 : i32
      %dma_wait3A_21 = tpu.memref_slice %arg2[%run_scoped3A, %dma_wait3A_20] : memref<8x1024xf32, #tpu.memory_space<hbm>> -> memref<1x1024xf32, #tpu.memory_space<hbm>>
      %dma_wait3A_22 = tpu.memref_squeeze %dma_wait3A_21 : memref<1x1024xf32, #tpu.memory_space<hbm>> -> memref<1024xf32, #tpu.memory_space<hbm>>
      tpu.wait_dma2 semaphore(%run_scoped3A_12 : memref<!tpu.dma_semaphore, #tpu.memory_space<semaphore_mem>>) src(%dma_wait3A_22 : memref<1024xf32, #tpu.memory_space<hbm>>) dst(%arg5 : memref<1024xf32, #tpu.memory_space<vmem>>)
      tpu.yield
    }) : () -> ()
    %run_scoped3A_3 = arith.constant 1 : i32
    "tpu.region"() ({
      %run_scoped3A_12 = tpu.sem_alloc : memref<!tpu.dma_semaphore, #tpu.memory_space<semaphore_mem>>
      %dma_start3A = arith.constant 0 : i32
      %dma_start3A_13 = tpu.memref_slice %arg2[%run_scoped3A_3, %dma_start3A] : memref<8x1024xf32, #tpu.memory_space<hbm>> -> memref<1x1024xf32, #tpu.memory_space<hbm>>
      %dma_start3A_14 = tpu.memref_squeeze %dma_start3A_13 : memref<1x1024xf32, #tpu.memory_space<hbm>> -> memref<1024xf32, #tpu.memory_space<hbm>>
      %dma_start3A_15 = arith.constant 0 : i32
      %dma_start3A_16 = tpu.memref_slice %arg2[%run_scoped3A_3, %dma_start3A_15] : memref<8x1024xf32, #tpu.memory_space<hbm>> -> memref<1x1024xf32, #tpu.memory_space<hbm>>
      %dma_start3A_17 = tpu.memref_squeeze %dma_start3A_16 : memref<1x1024xf32, #tpu.memory_space<hbm>> -> memref<1024xf32, #tpu.memory_space<hbm>>
      tpu.enqueue_dma source(%dma_start3A_17 : memref<1024xf32, #tpu.memory_space<hbm>>) target(%arg6 : memref<1024xf32, #tpu.memory_space<vmem>>) target_semaphore(%run_scoped3A_12 : memref<!tpu.dma_semaphore, #tpu.memory_space<semaphore_mem>>)
      %dma_wait3A = arith.constant 0 : i32
      %dma_wait3A_18 = tpu.memref_slice %arg2[%run_scoped3A_3, %dma_wait3A] : memref<8x1024xf32, #tpu.memory_space<hbm>> -> memref<1x1024xf32, #tpu.memory_space<hbm>>
      %dma_wait3A_19 = tpu.memref_squeeze %dma_wait3A_18 : memref<1x1024xf32, #tpu.memory_space<hbm>> -> memref<1024xf32, #tpu.memory_space<hbm>>
      %dma_wait3A_20 = arith.constant 0 : i32
      %dma_wait3A_21 = tpu.memref_slice %arg2[%run_scoped3A_3, %dma_wait3A_20] : memref<8x1024xf32, #tpu.memory_space<hbm>> -> memref<1x1024xf32, #tpu.memory_space<hbm>>
      %dma_wait3A_22 = tpu.memref_squeeze %dma_wait3A_21 : memref<1x1024xf32, #tpu.memory_space<hbm>> -> memref<1024xf32, #tpu.memory_space<hbm>>
      tpu.wait_dma2 semaphore(%run_scoped3A_12 : memref<!tpu.dma_semaphore, #tpu.memory_space<semaphore_mem>>) src(%dma_wait3A_22 : memref<1024xf32, #tpu.memory_space<hbm>>) dst(%arg6 : memref<1024xf32, #tpu.memory_space<vmem>>)
      tpu.yield
    }) : () -> ()
    "tpu.region"() ({
      %run_scoped3A_12 = tpu.sem_alloc : memref<!tpu.dma_semaphore, #tpu.memory_space<semaphore_mem>>
      %dma_start3A = tpu.memref_slice %arg3[%mul3A_2] : memref<1638400xi32, #tpu.memory_space<hbm>> -> memref<51200xi32, #tpu.memory_space<hbm>>
      %dma_start3A_13 = tpu.memref_slice %arg3[%mul3A_2] : memref<1638400xi32, #tpu.memory_space<hbm>> -> memref<51200xi32, #tpu.memory_space<hbm>>
      tpu.enqueue_dma source(%dma_start3A_13 : memref<51200xi32, #tpu.memory_space<hbm>>) target(%arg7 : memref<51200xi32, #tpu.memory_space<vmem>>) target_semaphore(%run_scoped3A_12 : memref<!tpu.dma_semaphore, #tpu.memory_space<semaphore_mem>>)
      %dma_wait3A = tpu.memref_slice %arg3[%mul3A_2] : memref<1638400xi32, #tpu.memory_space<hbm>> -> memref<51200xi32, #tpu.memory_space<hbm>>
      %dma_wait3A_14 = tpu.memref_slice %arg3[%mul3A_2] : memref<1638400xi32, #tpu.memory_space<hbm>> -> memref<51200xi32, #tpu.memory_space<hbm>>
      tpu.wait_dma2 semaphore(%run_scoped3A_12 : memref<!tpu.dma_semaphore, #tpu.memory_space<semaphore_mem>>) src(%dma_wait3A_14 : memref<51200xi32, #tpu.memory_space<hbm>>) dst(%arg7 : memref<51200xi32, #tpu.memory_space<vmem>>)
      tpu.yield
    }) : () -> ()
    %iota3A = tpu.iota {dimensions = array<i32: 0>} : vector<16xi32>
    %scan3A = arith.constant 0 : i32
    %scan3A_4 = arith.constant 32 : i32
    %scan3A_5 = arith.addi %scan3A, %scan3A_4 : i32
    %scan3A_6 = arith.constant 1 : i32
    scf.for %scan3A_12 = %scan3A to %scan3A_5 step %scan3A_6  : i32 {
      %mul3A_13 = arith.constant 1 : i32
      %mul3A_14 = arith.muli %scan3A_12, %mul3A_13 : i32
      %add3A_15 = arith.constant 0 : i32
      %add3A_16 = arith.addi %add3A_15, %mul3A_14 : i32
      %mul3A_17 = arith.constant 16 : i32
      %mul3A_18 = arith.muli %add3A_16, %mul3A_17 : i32
      %add3A_19 = vector.broadcast %mul3A_18 : i32 to vector<16xi32>
      %add3A_20 = arith.addi %add3A_19, %iota3A : vector<16xi32>
      %mul3A_21 = arith.constant 100 : i32
      %mul3A_22 = vector.broadcast %mul3A_21 : i32 to vector<16xi32>
      %mul3A_23 = arith.muli %add3A_20, %mul3A_22 : vector<16xi32>
      %broadcast_in_dim3A = arith.constant 0.000000e+00 : f32
      %broadcast_in_dim3A_24 = vector.broadcast %broadcast_in_dim3A : f32 to vector<16xf32>
      %scan3A_25 = arith.constant 0 : i32
      %scan3A_26 = arith.constant 25 : i32
      %scan3A_27 = arith.addi %scan3A_25, %scan3A_26 : i32
      %scan3A_28 = arith.constant 1 : i32
      %scan3A_29:2 = scf.for %scan3A_55 = %scan3A_25 to %scan3A_27 step %scan3A_28 iter_args(%scan3A_56 = %broadcast_in_dim3A_24, %scan3A_57 = %broadcast_in_dim3A_24) -> (vector<16xf32>, vector<16xf32>)  : i32 {
        %mul3A_58 = arith.constant 4 : i32
        %mul3A_59 = arith.muli %scan3A_55, %mul3A_58 : i32
        %add3A_60 = arith.constant 0 : i32
        %add3A_61 = arith.addi %mul3A_59, %add3A_60 : i32
        %add3A_62 = vector.broadcast %add3A_61 : i32 to vector<16xi32>
        %add3A_63 = arith.addi %mul3A_23, %add3A_62 : vector<16xi32>
        %gather3A = tpu.vector_load_idx %arg7[%add3A_63] : memref<51200xi32, #tpu.memory_space<vmem>>[vector<16xi32>], vector<16xi32>,
        %mul3A_64 = arith.constant 4 : i32
        %mul3A_65 = arith.muli %scan3A_55, %mul3A_64 : i32
        %add3A_66 = arith.constant 1 : i32
        %add3A_67 = arith.addi %mul3A_65, %add3A_66 : i32
        %add3A_68 = vector.broadcast %add3A_67 : i32 to vector<16xi32>
        %add3A_69 = arith.addi %mul3A_23, %add3A_68 : vector<16xi32>
        %gather3A_70 = tpu.vector_load_idx %arg7[%add3A_69] : memref<51200xi32, #tpu.memory_space<vmem>>[vector<16xi32>], vector<16xi32>,
        %mul3A_71 = arith.constant 4 : i32
        %mul3A_72 = arith.muli %scan3A_55, %mul3A_71 : i32
        %add3A_73 = arith.constant 2 : i32
        %add3A_74 = arith.addi %mul3A_72, %add3A_73 : i32
        %add3A_75 = vector.broadcast %add3A_74 : i32 to vector<16xi32>
        %add3A_76 = arith.addi %mul3A_23, %add3A_75 : vector<16xi32>
        %gather3A_77 = tpu.vector_load_idx %arg7[%add3A_76] : memref<51200xi32, #tpu.memory_space<vmem>>[vector<16xi32>], vector<16xi32>,
        %mul3A_78 = arith.constant 4 : i32
        %mul3A_79 = arith.muli %scan3A_55, %mul3A_78 : i32
        %add3A_80 = arith.constant 3 : i32
        %add3A_81 = arith.addi %mul3A_79, %add3A_80 : i32
        %add3A_82 = vector.broadcast %add3A_81 : i32 to vector<16xi32>
        %add3A_83 = arith.addi %mul3A_23, %add3A_82 : vector<16xi32>
        %gather3A_84 = tpu.vector_load_idx %arg7[%add3A_83] : memref<51200xi32, #tpu.memory_space<vmem>>[vector<16xi32>], vector<16xi32>,
        %and3A = arith.constant 65535 : i32
        %and3A_85 = vector.broadcast %and3A : i32 to vector<16xi32>
        %and3A_86 = arith.andi %gather3A, %and3A_85 : vector<16xi32>
        %shift_right_logical3A = arith.constant 16 : i32
        %shift_right_logical3A_87 = vector.broadcast %shift_right_logical3A : i32 to vector<16xi32>
        %shift_right_logical3A_88 = arith.shrui %gather3A, %shift_right_logical3A_87 : vector<16xi32>
        %and3A_89 = arith.constant 65535 : i32
        %and3A_90 = vector.broadcast %and3A_89 : i32 to vector<16xi32>
        %and3A_91 = arith.andi %gather3A_70, %and3A_90 : vector<16xi32>
        %shift_right_logical3A_92 = arith.constant 16 : i32
        %shift_right_logical3A_93 = vector.broadcast %shift_right_logical3A_92 : i32 to vector<16xi32>
        %shift_right_logical3A_94 = arith.shrui %gather3A_70, %shift_right_logical3A_93 : vector<16xi32>
        %and3A_95 = arith.constant 65535 : i32
        %and3A_96 = vector.broadcast %and3A_95 : i32 to vector<16xi32>
        %and3A_97 = arith.andi %gather3A_77, %and3A_96 : vector<16xi32>
        %shift_right_logical3A_98 = arith.constant 16 : i32
        %shift_right_logical3A_99 = vector.broadcast %shift_right_logical3A_98 : i32 to vector<16xi32>
        %shift_right_logical3A_100 = arith.shrui %gather3A_77, %shift_right_logical3A_99 : vector<16xi32>
        %and3A_101 = arith.constant 65535 : i32
        %and3A_102 = vector.broadcast %and3A_101 : i32 to vector<16xi32>
        %and3A_103 = arith.andi %gather3A_84, %and3A_102 : vector<16xi32>
        %shift_right_logical3A_104 = arith.constant 16 : i32
        %shift_right_logical3A_105 = vector.broadcast %shift_right_logical3A_104 : i32 to vector<16xi32>
        %shift_right_logical3A_106 = arith.shrui %gather3A_84, %shift_right_logical3A_105 : vector<16xi32>
        %gather3A_107 = tpu.vector_load_idx %arg5[%and3A_86] : memref<1024xf32, #tpu.memory_space<vmem>>[vector<16xi32>], vector<16xf32>,
        %add3A_108 = arith.addf %scan3A_56, %gather3A_107 : vector<16xf32>
        %gather3A_109 = tpu.vector_load_idx %arg6[%and3A_86] : memref<1024xf32, #tpu.memory_space<vmem>>[vector<16xi32>], vector<16xf32>,
        %add3A_110 = arith.addf %scan3A_57, %gather3A_109 : vector<16xf32>
        %gather3A_111 = tpu.vector_load_idx %arg5[%shift_right_logical3A_88] : memref<1024xf32, #tpu.memory_space<vmem>>[vector<16xi32>], vector<16xf32>,
        %add3A_112 = arith.addf %add3A_108, %gather3A_111 : vector<16xf32>
        %gather3A_113 = tpu.vector_load_idx %arg6[%shift_right_logical3A_88] : memref<1024xf32, #tpu.memory_space<vmem>>[vector<16xi32>], vector<16xf32>,
        %add3A_114 = arith.addf %add3A_110, %gather3A_113 : vector<16xf32>
        %gather3A_115 = tpu.vector_load_idx %arg5[%and3A_91] : memref<1024xf32, #tpu.memory_space<vmem>>[vector<16xi32>], vector<16xf32>,
        %add3A_116 = arith.addf %add3A_112, %gather3A_115 : vector<16xf32>
        %gather3A_117 = tpu.vector_load_idx %arg6[%and3A_91] : memref<1024xf32, #tpu.memory_space<vmem>>[vector<16xi32>], vector<16xf32>,
        %add3A_118 = arith.addf %add3A_114, %gather3A_117 : vector<16xf32>
        %gather3A_119 = tpu.vector_load_idx %arg5[%shift_right_logical3A_94] : memref<1024xf32, #tpu.memory_space<vmem>>[vector<16xi32>], vector<16xf32>,
        %add3A_120 = arith.addf %add3A_116, %gather3A_119 : vector<16xf32>
        %gather3A_121 = tpu.vector_load_idx %arg6[%shift_right_logical3A_94] : memref<1024xf32, #tpu.memory_space<vmem>>[vector<16xi32>], vector<16xf32>,
        %add3A_122 = arith.addf %add3A_118, %gather3A_121 : vector<16xf32>
        %gather3A_123 = tpu.vector_load_idx %arg5[%and3A_97] : memref<1024xf32, #tpu.memory_space<vmem>>[vector<16xi32>], vector<16xf32>,
        %add3A_124 = arith.addf %add3A_120, %gather3A_123 : vector<16xf32>
        %gather3A_125 = tpu.vector_load_idx %arg6[%and3A_97] : memref<1024xf32, #tpu.memory_space<vmem>>[vector<16xi32>], vector<16xf32>,
        %add3A_126 = arith.addf %add3A_122, %gather3A_125 : vector<16xf32>
        %gather3A_127 = tpu.vector_load_idx %arg5[%shift_right_logical3A_100] : memref<1024xf32, #tpu.memory_space<vmem>>[vector<16xi32>], vector<16xf32>,
        %add3A_128 = arith.addf %add3A_124, %gather3A_127 : vector<16xf32>
        %gather3A_129 = tpu.vector_load_idx %arg6[%shift_right_logical3A_100] : memref<1024xf32, #tpu.memory_space<vmem>>[vector<16xi32>], vector<16xf32>,
        %add3A_130 = arith.addf %add3A_126, %gather3A_129 : vector<16xf32>
        %gather3A_131 = tpu.vector_load_idx %arg5[%and3A_103] : memref<1024xf32, #tpu.memory_space<vmem>>[vector<16xi32>], vector<16xf32>,
        %add3A_132 = arith.addf %add3A_128, %gather3A_131 : vector<16xf32>
        %gather3A_133 = tpu.vector_load_idx %arg6[%and3A_103] : memref<1024xf32, #tpu.memory_space<vmem>>[vector<16xi32>], vector<16xf32>,
        %add3A_134 = arith.addf %add3A_130, %gather3A_133 : vector<16xf32>
        %gather3A_135 = tpu.vector_load_idx %arg5[%shift_right_logical3A_106] : memref<1024xf32, #tpu.memory_space<vmem>>[vector<16xi32>], vector<16xf32>,
        %add3A_136 = arith.addf %add3A_132, %gather3A_135 : vector<16xf32>
        %gather3A_137 = tpu.vector_load_idx %arg6[%shift_right_logical3A_106] : memref<1024xf32, #tpu.memory_space<vmem>>[vector<16xi32>], vector<16xf32>,
        %add3A_138 = arith.addf %add3A_134, %gather3A_137 : vector<16xf32>
        scf.yield %add3A_136, %add3A_138 : vector<16xf32>, vector<16xf32>
      }
      %scan3A_30 = arith.constant 25 : i32
      %max3A = arith.maximumf %scan3A_29#0, %scan3A_29#1 : vector<16xf32>
      %max3A_31 = arith.constant 0.000000e+00 : f32
      %max3A_32 = vector.broadcast %max3A_31 : f32 to vector<16xf32>
      %max3A_33 = arith.maximumf %max3A, %max3A_32 : vector<16xf32>
      %sub3A = arith.subf %scan3A_29#0, %max3A_33 : vector<16xf32>
      %exp3A = math.exp %sub3A : vector<16xf32>
      %sub3A_34 = arith.subf %scan3A_29#1, %max3A_33 : vector<16xf32>
      %exp3A_35 = math.exp %sub3A_34 : vector<16xf32>
      %neg3A = arith.constant 0.000000e+00 : f32
      %neg3A_36 = vector.broadcast %neg3A : f32 to vector<16xf32>
      %neg3A_37 = arith.subf %neg3A_36, %max3A_33 : vector<16xf32>
      %exp3A_38 = math.exp %neg3A_37 : vector<16xf32>
      %add3A_39 = arith.addf %exp3A, %exp3A_35 : vector<16xf32>
      %add3A_40 = arith.addf %add3A_39, %exp3A_38 : vector<16xf32>
      %div3A = arith.constant 1.000000e+00 : f32
      %div3A_41 = vector.broadcast %div3A : f32 to vector<16xf32>
      %div3A_42 = arith.divf %div3A_41, %add3A_40 : vector<16xf32>
      %mul3A_43 = arith.constant 3 : i32
      %mul3A_44 = vector.broadcast %mul3A_43 : i32 to vector<16xi32>
      %mul3A_45 = arith.muli %add3A_20, %mul3A_44 : vector<16xi32>
      %mul3A_46 = arith.mulf %exp3A, %div3A_42 : vector<16xf32>
      tpu.vector_store_idx %arg8[%mul3A_45], %mul3A_46 : memref<1536xf32, #tpu.memory_space<vmem>>[vector<16xi32>], vector<16xf32>,
      %add3A_47 = arith.constant 1 : i32
      %add3A_48 = vector.broadcast %add3A_47 : i32 to vector<16xi32>
      %add3A_49 = arith.addi %mul3A_45, %add3A_48 : vector<16xi32>
      %mul3A_50 = arith.mulf %exp3A_35, %div3A_42 : vector<16xf32>
      tpu.vector_store_idx %arg8[%add3A_49], %mul3A_50 : memref<1536xf32, #tpu.memory_space<vmem>>[vector<16xi32>], vector<16xf32>,
      %add3A_51 = arith.constant 2 : i32
      %add3A_52 = vector.broadcast %add3A_51 : i32 to vector<16xi32>
      %add3A_53 = arith.addi %mul3A_45, %add3A_52 : vector<16xi32>
      %mul3A_54 = arith.mulf %exp3A_38, %div3A_42 : vector<16xf32>
      tpu.vector_store_idx %arg8[%add3A_53], %mul3A_54 : memref<1536xf32, #tpu.memory_space<vmem>>[vector<16xi32>], vector<16xf32>,
    }
    %scan3A_7 = arith.constant 32 : i32
    %mul3A_8 = arith.constant 512 : i32
    %mul3A_9 = arith.muli %add3A, %mul3A_8 : i32
    %mul3A_10 = arith.constant 3 : i32
    %mul3A_11 = arith.muli %mul3A_9, %mul3A_10 : i32
    "tpu.region"() ({
      %run_scoped3A_12 = tpu.sem_alloc : memref<!tpu.dma_semaphore, #tpu.memory_space<semaphore_mem>>
      %dma_start3A = tpu.memref_slice %arg4[%mul3A_11] : memref<49152xf32, #tpu.memory_space<hbm>> -> memref<1536xf32, #tpu.memory_space<hbm>>
      %dma_start3A_13 = tpu.memref_slice %arg4[%mul3A_11] : memref<49152xf32, #tpu.memory_space<hbm>> -> memref<1536xf32, #tpu.memory_space<hbm>>
      tpu.enqueue_dma source(%arg8 : memref<1536xf32, #tpu.memory_space<vmem>>) target(%dma_start3A_13 : memref<1536xf32, #tpu.memory_space<hbm>>) target_semaphore(%run_scoped3A_12 : memref<!tpu.dma_semaphore, #tpu.memory_space<semaphore_mem>>)
      %dma_wait3A = tpu.memref_slice %arg4[%mul3A_11] : memref<49152xf32, #tpu.memory_space<hbm>> -> memref<1536xf32, #tpu.memory_space<hbm>>
      %dma_wait3A_14 = tpu.memref_slice %arg4[%mul3A_11] : memref<49152xf32, #tpu.memory_space<hbm>> -> memref<1536xf32, #tpu.memory_space<hbm>>
      tpu.wait_dma2 semaphore(%run_scoped3A_12 : memref<!tpu.dma_semaphore, #tpu.memory_space<semaphore_mem>>) src(%arg8 : memref<1536xf32, #tpu.memory_space<vmem>>) dst(%dma_wait3A_14 : memref<1536xf32, #tpu.memory_space<hbm>>)
      tpu.yield
    }) : () -> ()
    return
  }
}

module attributes {stable_mosaic.version = 14 : i64} {
  func.func @_tw_body(%arg0: memref<1024x128xf32, #tpu.memory_space<vmem>>, %arg1: memref<8x128xf32, #tpu.memory_space<vmem>>, %arg2: memref<8x1xf32, #tpu.memory_space<vmem>>, %arg3: memref<8x1024xf32, #tpu.memory_space<vmem>>) attributes {dimension_semantics = [], scalar_prefetch = 0 : i64, scratch_operands = 0 : i64, tpu.core_type = #tpu.core_type<tc>} {
    %get3A = arith.constant 0 : index
    %get3A_0 = arith.constant 0 : index
    %get3A_1 = vector.load %arg1[%get3A, %get3A_0] : memref<8x128xf32, #tpu.memory_space<vmem>>, vector<8x128xf32>
    %get3A_2 = arith.constant 0 : index
    %get3A_3 = arith.constant 0 : index
    %get3A_4 = vector.load %arg0[%get3A_2, %get3A_3] : memref<1024x128xf32, #tpu.memory_space<vmem>>, vector<1024x128xf32>
    %dot_general3A = arith.constant dense<0.000000e+00> : vector<8x1024xf32>
    %dot_general3A_5 = tpu.matmul %get3A_1, %get3A_4, %dot_general3A {dimension_numbers = #tpu.dot_dimension_numbers<[1], [1], [0], [0], [0, 0, 1, 0], [], []>, transpose_lhs_hint = false} : vector<8x128xf32>, vector<1024x128xf32>, vector<8x1024xf32> -> vector<8x1024xf32>
    %get3A_6 = arith.constant 0 : index
    %get3A_7 = arith.constant 0 : index
    %get3A_8 = vector.load %arg2[%get3A_6, %get3A_7] : memref<8x1xf32, #tpu.memory_space<vmem>>, vector<8x1xf32>
    %add3A = vector.broadcast %get3A_8 : vector<8x1xf32> to vector<8x1024xf32>
    %add3A_9 = arith.addf %dot_general3A_5, %add3A : vector<8x1024xf32>
    %mul3A = arith.constant 5.000000e-03 : f32
    %mul3A_10 = vector.broadcast %mul3A : f32 to vector<8x1024xf32>
    %mul3A_11 = arith.mulf %add3A_9, %mul3A_10 : vector<8x1024xf32>
    %swap3A = arith.constant 0 : index
    %swap3A_12 = arith.constant 0 : index
    %swap3A_13 = vector.load %arg3[%swap3A, %swap3A_12] : memref<8x1024xf32, #tpu.memory_space<vmem>>, vector<8x1024xf32>
    tpu.vector_store %arg3[%swap3A, %swap3A_12], %mul3A_11 {strides = array<i32>} : memref<8x1024xf32, #tpu.memory_space<vmem>>, vector<8x1024xf32>,
    return
  }
}

</mosaic_0001>

<sc_bundles>
// kernel: kernel.4.cloned.1.call-start
scs
__scs_entry_jumppad:
0x0: {  	(pc) =	sbr.rel $0x88, $3  }
0x1: {  	(tag) =	ssettag $0x0;
	lr =	simm.s32 $0x1  }
0x2: {  	[smem:$0x3F9D] =	sst lr;
	_ =	strace $0xD0000000  }
0x3: {  	_ = 	snop  }
0x4: {  	_ = 	snop  }
0x5: {  	_ = 	snop  }
0x6: {  	_ = 	snop  }
0x7: {  	_ = 	snop  }
__scs_overlays_trampoline_lowered:
0x8: {  	[smem:$0x3FAC] =	sst s0  }
0x9: {  	[smem:$0x3FAD] =	sst s1  }
0xa: {  	[smem:$0x3FAE] =	sst s2  }
0xb: {  	[smem:$0x3FAF] =	sst s3  }
0xc: {  	[smem:$0x3FB0] =	sst s4  }
0xd: {  	[smem:$0x3FB1] =	sst s5  }
0xe: {  	[smem:$0x3FB2] =	sst s6  }
0xf: {  	[smem:$0x3FB3] =	sst s7  }
0x10: {  	[smem:$0x3FB4] =	sst s8  }
0x11: {  	[smem:$0x3FB5] =	sst s9;
	s0 =	simm.s32 @!p0 $0x0  }
0x12: {  	s1 =	sld [smem:$0x3F9B];
	s0 =	simm.s32 @p0 $0x1  }
0x13: {  	[smem:$0x3FB6] =	sst s0;
	s0 =	simm.s32 @!p1 $0x0  }
0x14: {  	s2 =	sld [smem:$0x3F9A];
	s0 =	simm.s32 @p1 $0x1  }
0x15: {  	[smem:$0x3FB7] =	sst s0;
	s0 =	simm.s32 @!p2 $0x0  }
0x16: {  	s3 =	sld [smem:$0x3FDB];
	s0 =	simm.s32 @p2 $0x1  }
0x17: {  	s4 =	simm.s32 $0x1BF5;
	[smem:$0x3FB9] =	sst s0  }
0x18: {  	s0 =	sld [smem:$0x3F9C];
	_ =	swait.ge [sflag:s4], $0x0  }
0x19: {  	s7 =	sld [smem:$0x3F9D]  }
0x1a: {  	s8 =	sadd.s32 $0xFFFFE003, lr  }
0x1b: {  	s9 =	sadd.s32 $0xFFFFFEF7, lr;
	s5 =	simm.s32 $0xFFFFFFFF;
	p2 =	slt.u32 s8, $0xFFFFF086  }
0x1c: {  	p1 =	slt.u32 s9, $0xF7A;
	s5 =	simm.s32 @!p2 $0x0  }
0x1d: {  	s5 =	simm.s32 @p1 $0x1;
	p0 =	seq.s32 s7, s2  }
0x1e: {  	s7 =	smul.u32 @!p0 $0xF7A, s2;
	p2 =	seq.s32 @!p0 s5, $0x0  }
0x1f: {  	s9 =	smul.u32 $0xF7A, s1;
	s8 =	simm.s32 @!p0 $0x1BF5;
	p2 =	por !p2, p0  }
0x20: {  	[sflag:s8] =	ssyncset.s32 @!p0 $0xFFFFF086;
	s6 =	sadd.s32 @!p0 s3, s7;
	s7 =	simm.s32 @!p0 $0x108  }
0x21: {  	s3 =	sadd.s32 s3, s9;
	s6 =	sadd.s32 @!p0 $0x88, s6;
	s7 =	simm.s32 @p2 $0x1082  }
0x22: {  	[simem:s7], [sflag:s8] =	dma.local @!p0 [hbm:s6], $0xF7A  }
0x23: {  	s9 =	sor.u32 $0xD0000000, s2;
	s6 =	simm.s32 $0x108;
	_ =	swait.ge @!p0 [sflag:s8], $0x0  }
0x24: {  	s3 =	sadd.s32 $0x88, s3;
	s6 =	simm.s32 @!p1 $0x1082;
	[sflag:s4] =	ssyncset.s32 $0xFFFFF086  }
0x25: {  	[simem:s6], [sflag:s4] =	dma.local [hbm:s3], $0xF7A  }
0x26: {  	[smem:$0x3F9D] =	sst s1;
	(tag) =	ssettag s2;
	_ =	strace s9  }
0x27: {  	s1 =	sld [smem:$0x3FAD]  }
0x28: {  	s2 =	sld [smem:$0x3FAE]  }
0x29: {  	s4 =	sld [smem:$0x3FB0]  }
0x2a: {  	p0 =	seq.s32 s5, $0x0;
	s5 =	sld [smem:$0x3FB1]  }
0x2b: {  	s6 =	sld [smem:$0x3FB2]  }
0x2c: {  	s7 =	sld [smem:$0x3FB3]  }
0x2d: {  	s3 =	simm.s32 $0x108;
	s8 =	sld [smem:$0x3FB4]  }
0x2e: {  	s3 =	simm.s32 @!p0 $0x1082;
	s9 =	sld [smem:$0x3FB5]  }
0x2f: {  	lr =	sadd.s32 s0, s3;
	s0 =	sld [smem:$0x3FAC]  }
0x30: {  	s3 =	sld [smem:$0x3FAF]  }
0x31: {  	[smem:$0x3FB8] =	sst s10  }
0x32: {  	s10 =	sld [smem:$0x3FB6];
	_ =	sdelay $0x3  }
0x33: {  	p0 =	seq.s32 s10, $0x1;
	s10 =	sld [smem:$0x3FB8];
	_ =	sdelay $0x3  }
0x34: {  	[smem:$0x3FB8] =	sst s10  }
0x35: {  	s10 =	sld [smem:$0x3FB7];
	_ =	sdelay $0x3  }
0x36: {  	p1 =	seq.s32 s10, $0x1;
	s10 =	sld [smem:$0x3FB8];
	_ =	sdelay $0x3  }
0x37: {  	[smem:$0x3FB8] =	sst s10  }
0x38: {  	s10 =	sld [smem:$0x3FB9]  }
0x39: {  	_ = 	snop;
	(pc) =	sbr.ind lr, $3  }
0x3a: {  	_ = 	snop  }
0x3b: {  	_ = 	snop  }
0x3c: {  	p2 =	seq.s32 s10, $0x1;
	s10 =	sld [smem:$0x3FB8]  }
0x3d: {  	_ =	shalt  }
0x3e: {  	_ =	shalt  }
0x3f: {  	_ =	shalt  }
0x40: {  	_ =	shalt  }
0x41: {  	_ =	shalt  }
0x42: {  	_ =	shalt  }
0x43: {  	_ =	shalt  }
0x44: {  	_ =	shalt  }
0x45: {  	_ =	shalt  }
0x46: {  	_ =	shalt  }
0x47: {  	_ =	shalt  }
0x48: {  	_ =	shalt  }
0x49: {  	_ =	shalt  }
0x4a: {  	_ =	shalt  }
0x4b: {  	_ =	shalt  }
0x4c: {  	_ =	shalt  }
0x4d: {  	_ =	shalt  }
0x4e: {  	_ =	shalt  }
0x4f: {  	_ =	shalt  }
0x50: {  	_ =	shalt  }
0x51: {  	_ =	shalt  }
0x52: {  	_ =	shalt  }
0x53: {  	_ =	shalt  }
0x54: {  	_ =	shalt  }
0x55: {  	_ =	shalt  }
0x56: {  	_ =	shalt  }
0x57: {  	_ =	shalt  }
0x58: {  	_ =	shalt  }
0x59: {  	_ =	shalt  }
0x5a: {  	_ =	shalt  }
0x5b: {  	_ =	shalt  }
0x5c: {  	_ =	shalt  }
0x5d: {  	_ =	shalt  }
0x5e: {  	_ =	shalt  }
0x5f: {  	_ =	shalt  }
0x60: {  	_ =	shalt  }
0x61: {  	_ =	shalt  }
0x62: {  	_ =	shalt  }
0x63: {  	_ =	shalt  }
0x64: {  	_ =	shalt  }
0x65: {  	_ =	shalt  }
0x66: {  	_ =	shalt  }
0x67: {  	_ =	shalt  }
0x68: {  	_ =	shalt  }
0x69: {  	_ =	shalt  }
0x6a: {  	_ =	shalt  }
0x6b: {  	_ =	shalt  }
0x6c: {  	_ =	shalt  }
0x6d: {  	_ =	shalt  }
0x6e: {  	_ =	shalt  }
0x6f: {  	_ =	shalt  }
0x70: {  	_ =	shalt  }
0x71: {  	_ =	shalt  }
0x72: {  	_ =	shalt  }
0x73: {  	_ =	shalt  }
0x74: {  	_ =	shalt  }
0x75: {  	_ =	shalt  }
0x76: {  	_ =	shalt  }
0x77: {  	_ =	shalt  }
0x78: {  	_ =	shalt  }
0x79: {  	_ =	shalt  }
0x7a: {  	_ =	shalt  }
0x7b: {  	_ =	shalt  }
0x7c: {  	_ =	shalt  }
0x7d: {  	_ =	shalt  }
0x7e: {  	_ =	shalt  }
0x7f: {  	_ =	shalt  }
0x80: {  	_ =	shalt  }
0x81: {  	_ =	shalt  }
0x82: {  	_ =	shalt  }
0x83: {  	_ =	shalt  }
0x84: {  	_ =	shalt  }
0x85: {  	_ =	shalt  }
0x86: {  	_ =	shalt  }
0x87: {  	_ =	shalt  }
.Lfunc_end0:
.L_simem_size_0:
called_computation_lowered:
.L_overlay_start_0:
0x88: {  	s2 =	sld [smem:$0x3FD9]  }
0x89: {  	s3 =	sld [smem:$0x3FFE];
	_ =	sdelay $0x1  }
0x8a: {  	s1 =	srdreg.scid  }
0x8b: {  	s0 =	sand.u32 $0x1, s1  }
0x8c: {  	s17 =	sshll.u32 s0, $0xA;
	s2 =	sadd.s32 s3, s2  }
0x8d: {  	s2 =	sadd.s32 s2, s17  }
0x8e: {  	[smem:$0x3FC4] =	sst s2  }
0x8f: {  	_ = 	snop  }
0x90: {  	s2 =	sld [smem:$0x3FD0];
	(tm) =	ssettm $0x1  }
0x91: {  	s18 =	sld [smem:$0x3FFB];
	_ =	sdelay $0x3  }
0x92: {  	_ =	strace s18  }
0x93: {  	s3 =	sld [smem:$0x3FFC];
	_ =	sdelay $0x3  }
0x94: {  	_ =	strace s3  }
0x95: {  	s3 =	sld [smem:$0x3FFD];
	_ =	sdelay $0x3  }
0x96: {  	_ =	strace s3  }
0x97: {  	_ =	strace $0x8FFFFFFF  }
0x98: {  	s19 =	sld [smem:$0x3FDB];
	_ =	sdelay $0x1  }
0x99: {  	s4 =	simm.s32 $_scs_section_size  }
0x9a: {  	s5 =	simm.s32 $_size__tile_overlayer_lowered;
	s6 =	simm.s32 $_tile_overlayer_lowered  }
0x9b: {  	s22 =	simm.s32 $0x1BFF;
	s21 =	sshll.u32 s6, $0x1;
	s3 =	sadd.s32 s4, s19  }
0x9c: {  	s7 =	simm.s32 $0x0;
	s20 =	sshll.u32 s5, $0x1;
	s5 =	sadd.s32 s21, s3  }
0x9d: {  	[timem:s7], [sflag:s22] =	dma.local [hbm:s5], s20  }
0x9e: {  	_ =	swait.ge [sflag:s22], s20  }
0x9f: {  	s4 =	ssub.s32 $0x0, s20;
	[sflag:s22] =	ssyncset.done $0x0  }
0xa0: {  	[sflag:s22] =	ssyncadd.s32 s4;
	_ =	sdelay $0x1  }
0xa1: {  	s23 =	simm.s32 $0x1B8B  }
0xa2: {  	_ =	swait.ge [sflag:s23], $0x1  }
0xa3: {  	[sflag:s23] =	ssyncset.done $0x0  }
0xa4: {  	s25 =	simm.s32 $0x1B8E;
	s24 =	sld [smem:$0x3FFE];
	[sflag:s23] =	ssyncadd.s32 $0xFFFFFFFF  }
0xa5: {  	s26 =	simm.s32 $execute0_lowered;
	[smem:$0x3FD2] =	sst s25  }
0xa6: {  	s5 =	sshll.u32 s26, $0x1;
	_ =	strace $0x80000046;
	[dreg:$0x1] =	wrdreg $0xFFFFFFFF  }
0xa7: {  	s28 =	simm.s32 $_size_execute0_lowered;
	s3 =	sadd.s32 s3, s5;
	[dreg:$0x0] =	wrdreg $0x0  }
0xa8: {  	s5 =	sshll.u32 s28, $0x1;
	[dreg:$0x2] =	wrdreg s3  }
0xa9: {  	[dreg:$0x3] =	wrdreg s5  }
0xaa: {  	[dreg:$0x4] =	wrdreg $0xC0  }
0xab: {  	_ =	task [dreg:s7], $0x5FFFF  }
0xac: {  	[dreg:$0x1] =	wrdreg $0xFFFFFFFF  }
0xad: {  	[dreg:$0x0] =	wrdreg $0x60  }
0xae: {  	[dreg:$0x2] =	wrdreg s24  }
0xaf: {  	[dreg:$0x3] =	wrdreg s2  }
0xb0: {  	[dreg:$0x4] =	wrdreg $0x9  }
0xb1: {  	_ =	task.clear_ibuf [dreg:s7], $0x5FFFF;
	_ =	strace $0x90000046  }
0xb2: {  	s29 =	simm.s32 $0x9;
	_ =	strace $0x80000048  }
0xb3: {  	_ =	swait.ge [sflag:s29], $0x1  }
0xb4: {  	[sflag:s29] =	ssyncadd.s32 $0xFFFFFFFF  }
0xb5: {  	_ =	strace $0x90000048  }
0xb6: {  	_ =	sfence  }
0xb7: {  	s30 =	sld [smem:$0x0];
	_ =	sdelay $0x2  }
0xb8: {  	s31 =	sshll.u32 s1, $0xD;
	s1 =	sshrl.u32 s1, $0x2  }
0xb9: {  	s3 =	sand.u32 $0x4000, s31;
	s1 =	sadd.s32 s1, s30  }
0xba: {  	s0 =	sor.u32 s3, s0;
	s1 =	sshll.u32 s1, $0x11  }
0xbb: {  	s0 =	sor.u32 s1, s0  }
0xbc: {  	s0 =	sadd.s32 $0x8F2B, s0  }
0xbd: {  	[sflag:s0] =	ssyncadd.remote.s32 $0x1  }
0xbe: {  	_ =	sfence.sel $0xFFFF  }
0xbf: {  	[dreg:$0x0] =	wrdreg $0xFFFFFFFF;
	(pc) =	sbr.abs _section_cstart, $3  }
0xc0: {  	[dreg:$0x1] =	wrdreg $0xFFFFFFFF  }
0xc1: {  	_ =	task.clear_ibuf [dreg:s7], $0x2FFFF;
	_ =	strace $0x9FFFFFFF  }
0xc2: {  	(tm) =	ssettm $0x7FFFFFFF  }
0xc3: {  	_ =	shalt  }
tec
execute0_lowered:
.L_overlay_start_1:
0x0: {  	(tag) =	ssettag $0x1  }
0x1: {  	s4 =	rddreg [dreg:$0x0]  }
0x2: {  	s6 =	rddreg [dreg:$0x1]  }
0x3: {  	s0 =	rddreg [dreg:$0x2];
	s3 =	srdreg.scid  }
0x4: {  	s1 =	stileid.u32;
	s2 =	simm.s32 $0x0;
	s11 =	simm.s32 $0x800  }
0x5: {  	s12 =	simm.s32 $0xD000;
	s3 =	sand.u32 $0x1, s3;
	s5 =	sshll.u32 s1, $0x1  }
0x6: {  	s13 =	simm.s32 $0x0;
	[smem:$0x7FF] =	sst s2;
	s5 =	sor.u32 s3, s5  }
0x7: {  	_ =	strace $0x80000047;
	s8 =	ssub.s32 $0x2, s3;
	s7 =	smul.u32 $0x1900, s5  }
0x8: {  	s3 =	sadd.s32 $0x32C00, s4;
	s9 =	sshrl.u32 s8, $0x1;
	s10 =	smul.u32 $0xC0, s5  }
0x9: {  	s31 =	ssub.s32 s8, s9;
	s8 =	simm.s32 $0x80;
	s9 =	simm.s32 $0x400  }
0xa: {  	s30 =	sadd.s32 s7, s4;
	s4 =	sadd.s32 $0x32C10, s4;
	s6 =	sadd.s32 s6, s10  }
0xb: {  	v0 =	vlaneseq.u32;
	s7 =	smax.u32 s31, $0x1;
	s10 =	simm.s32 $0x1;
	s5 =	sadd.s32 $0xC00, s30  }
.LBB2_1:
0xc: {  	[tilespmem:s2], [sflag:$0x1] =	stream.strided.gather [hbm4b:s3+s8], $0x400, s9, s8, $0x38;
	[tilespmem:$0xD600] =	vst v63  }
0xd: {  	_ =	swait.ge [sflag:s10], $0x400  }
0xe: {  	[sflag:s10] =	ssyncset.done $0x0  }
0xf: {  	[sflag:s10] =	ssyncadd.s32 $0xFFFFFC00  }
0x10: {  	[tilespmem:s9], [sflag:$0x1] =	stream.strided.gather [hbm4b:s4+s8], $0x400, s9, s8, $0x38;
	[tilespmem:$0xD600] =	vst v63  }
0x11: {  	_ =	swait.ge [sflag:s10], $0x400  }
0x12: {  	[sflag:s10] =	ssyncset.done $0x0  }
0x13: {  	[sflag:s10] =	ssyncadd.s32 $0xFFFFFC00  }
0x14: {  	[tilespmem:s11], [sflag:$0x1] =	stream.linear.gather [hbm4b:s5+s2], $0xC800, $0x38;
	[tilespmem:$0xD600] =	vst v63  }
0x15: {  	_ =	swait.ge [sflag:s10], $0xC800  }
0x16: {  	[sflag:s10] =	ssyncset.done $0x0  }
0x17: {  	s14 =	simm.s32 $0x0;
	[sflag:s10] =	ssyncadd.s32 $0xFFFF3800  }
.LBB2_2:
0x18: {  	s15 =	sshll.u32 s14, $0x4  }
0x19: {  	v1 =	vor.u32 s15, v0  }
0x1a: {  	v2 =	vmul.u32 $0x64, v1  }
0x1b: {  	s26 =	simm.s32 $0x0  }
0x1c: {  	v3 =	vadd.s32 s26, v2;
	_ =	sdelay $0x2  }
0x1d: {  	s28 =	simm.s32 $0x1  }
0x1e: {  	v4 =	vadd.s32 s28, v2  }
0x1f: {  	s29 =	simm.s32 $0x3;
	v3 =	vld.idx.msk [tilespmem:v3+s11+$0x0], $0xffff  }
0x20: {  	s16 =	simm.s32 $0x2;
	v5 =	vadd.s32 s29, v2  }
0x21: {  	s30 =	simm.s32 $0x5;
	v6 =	vadd.s32 s16, v2  }
0x22: {  	s31 =	simm.s32 $0x4;
	v7 =	vadd.s32 s30, v2  }
0x23: {  	v13 =	vld.idx.msk [tilespmem:v4+s11+$0x0], $0xffff;
	v4 =	vadd.s32 s31, v2  }
0x24: {  	v8 =	vand.u32 $0xFFFF, v3  }
0x25: {  	v5 =	vld.idx.msk [tilespmem:v5+s11+$0x0], $0xffff  }
0x26: {  	v6 =	vld.idx.msk [tilespmem:v6+s11+$0x0], $0xffff;
	v9 =	vshrl.u32 v3, $0x10  }
0x27: {  	v3 =	vld.idx.msk [tilespmem:v7+s11+$0x0], $0xffff  }
0x28: {  	v4 =	vld.idx.msk [tilespmem:v4+s11+$0x0], $0xffff;
	v12 =	vand.u32 $0xFFFF, v13  }
0x29: {  	v10 =	vld.idx.msk [tilespmem:v8+s2+$0x0], $0xffff  }
0x2a: {  	v15 =	vshrl.u32 v13, $0x10;
	v11 =	vld.idx.msk [tilespmem:v8+s9+$0x0], $0xffff  }
0x2b: {  	v8 =	vld.idx.msk [tilespmem:v9+s2+$0x0], $0xffff  }
0x2c: {  	v13 =	vand.u32 $0xFFFF, v6;
	v9 =	vld.idx.msk [tilespmem:v9+s9+$0x0], $0xffff  }
0x2d: {  	v14 =	vimm.f32 $0.0e+00;
	v16 =	vimm.f32 $0.0e+00;
	s15 =	simm.s32 $0x7;
	s16 =	simm.s32 $0xB;
	v7 =	vld.idx.msk [tilespmem:v12+s2+$0x0], $0xffff  }
.LBB2_3:
0x2e: {  	p0 =	sne.s32 s16, $0x63;
	v6 =	vshrl.u32 v6, $0x10;
	v12 =	vld.idx.msk [tilespmem:v12+s9+$0x0], $0xffff  }
0x2f: {  	v17 =	vld.idx.msk [tilespmem:v15+s2+$0x0], $0xffff  }
0x30: {  	v10 =	vadd.f32 v10, v14;
	v11 =	vadd.f32 v11, v16;
	v14 =	vld.idx.msk [tilespmem:v15+s9+$0x0], $0xffff;
	v15 =	vand.u32 $0xFFFF, v5  }
0x31: {  	v16 =	vld.idx.msk [tilespmem:v13+s2+$0x0], $0xffff  }
0x32: {  	v5 =	vshrl.u32 v5, $0x10;
	v8 =	vadd.f32 v8, v10;
	v9 =	vadd.f32 v9, v11;
	v10 =	vld.idx.msk [tilespmem:v13+s9+$0x0], $0xffff  }
0x33: {  	v11 =	vld.idx.msk [tilespmem:v6+s2+$0x0], $0xffff  }
0x34: {  	s17 =	sadd.s32 $0xFFFFFFFF, s15;
	v13 =	vadd.s32 s15, v2;
	v7 =	vadd.f32 v7, v8;
	s15 =	smov.u32 s16;
	v8 =	vadd.f32 v12, v9;
	v9 =	vld.idx.msk [tilespmem:v6+s9+$0x0], $0xffff  }
0x35: {  	s18 =	sadd.s32 $0xFFFFFFFE, s16;
	v6 =	vadd.s32 s17, v2;
	v18 =	vld.idx.msk [tilespmem:v15+s2+$0x0], $0xffff  }
0x36: {  	v12 =	vadd.s32 s18, v2;
	s17 =	sadd.s32 $0xFFFFFFFD, s16;
	v7 =	vadd.f32 v17, v7;
	v8 =	vadd.f32 v14, v8;
	v14 =	vld.idx.msk [tilespmem:v15+s9+$0x0], $0xffff  }
0x37: {  	v15 =	vadd.s32 s17, v2;
	v17 =	vld.idx.msk [tilespmem:v5+s2+$0x0], $0xffff  }
0x38: {  	v19 =	vand.u32 $0xFFFF, v4;
	v7 =	vadd.f32 v16, v7;
	v8 =	vadd.f32 v10, v8;
	v16 =	vld.idx.msk [tilespmem:v5+s9+$0x0], $0xffff  }
0x39: {  	v5 =	vld.idx.msk [tilespmem:v13+s11+$0x0], $0xffff  }
0x3a: {  	v7 =	vadd.f32 v11, v7;
	v13 =	vshrl.u32 v4, $0x10;
	v8 =	vadd.f32 v9, v8;
	v6 =	vld.idx.msk [tilespmem:v6+s11+$0x0], $0xffff  }
0x3b: {  	v20 =	vld.idx.msk [tilespmem:v12+s11+$0x0], $0xffff  }
0x3c: {  	v7 =	vadd.f32 v18, v7;
	v12 =	vand.u32 $0xFFFF, v3;
	v8 =	vadd.f32 v14, v8;
	v4 =	vld.idx.msk [tilespmem:v15+s11+$0x0], $0xffff  }
.Ltmp0:
0x3d: {  	v10 =	vld.idx.msk [tilespmem:v19+s2+$0x0], $0xffff;
	(pc) =	sbr.rel @p0 .LBB2_3-.Ltmp0, $4  }
0x3e: {  	v15 =	vshrl.u32 v3, $0x10;
	v14 =	vadd.f32 v17, v7;
	v16 =	vadd.f32 v16, v8;
	v11 =	vld.idx.msk [tilespmem:v19+s9+$0x0], $0xffff  }
0x3f: {  	v8 =	vld.idx.msk [tilespmem:v13+s2+$0x0], $0xffff  }
0x40: {  	v9 =	vld.idx.msk [tilespmem:v13+s9+$0x0], $0xffff;
	v13 =	vand.u32 $0xFFFF, v6  }
0x41: {  	s16 =	sadd.s32 $0x4, s16;
	v3 =	vmov v20;
	v7 =	vld.idx.msk [tilespmem:v12+s2+$0x0], $0xffff  }
0x42: {  	_ =	sdelay $0x3  }
0x43: {  	v6 =	vshrl.u32 v6, $0x10;
	v12 =	vld.idx.msk [tilespmem:v12+s9+$0x0], $0xffff  }
0x44: {  	v17 =	vld.idx.msk [tilespmem:v15+s2+$0x0], $0xffff  }
0x45: {  	v30 =	vld.idx.msk [tilespmem:v15+s9+$0x0], $0xffff;
	v18 =	vand.u32 $0xFFFF, v5  }
0x46: {  	v10 =	vadd.f32 v10, v14;
	v31 =	vld.idx.msk [tilespmem:v13+s2+$0x0], $0xffff;
	v11 =	vadd.f32 v11, v16  }
0x47: {  	v32 =	vshrl.u32 v5, $0x10;
	v33 =	vld.idx.msk [tilespmem:v13+s9+$0x0], $0xffff  }
0x48: {  	s16 =	sadd.s32 $0xFFFFFFFF, s15;
	v8 =	vadd.f32 v8, v10;
	v9 =	vadd.f32 v9, v11;
	v34 =	vld.idx.msk [tilespmem:v6+s2+$0x0], $0xffff  }
0x49: {  	v35 =	vadd.s32 s16, v2;
	v6 =	vld.idx.msk [tilespmem:v6+s9+$0x0], $0xffff  }
0x4a: {  	v39 =	vand.u32 $0xFFFF, v4;
	v7 =	vadd.f32 v7, v8;
	v36 =	vadd.f32 v12, v9;
	v37 =	vld.idx.msk [tilespmem:v18+s2+$0x0], $0xffff  }
0x4b: {  	v38 =	vld.idx.msk [tilespmem:v18+s9+$0x0], $0xffff  }
0x4c: {  	v41 =	vshrl.u32 v4, $0x10;
	v40 =	vld.idx.msk [tilespmem:v32+s2+$0x0], $0xffff;
	v7 =	vadd.f32 v17, v7;
	v8 =	vadd.f32 v30, v36  }
0x4d: {  	v2 =	vadd.s32 s15, v2;
	v5 =	vld.idx.msk [tilespmem:v32+s9+$0x0], $0xffff  }
0x4e: {  	v11 =	vld.idx.msk [tilespmem:v35+s11+$0x0], $0xffff;
	v7 =	vadd.f32 v31, v7;
	v8 =	vadd.f32 v33, v8  }
0x4f: {  	v42 =	vand.u32 $0xFFFF, v3;
	v43 =	vld.idx.msk [tilespmem:v39+s2+$0x0], $0xffff  }
0x50: {  	v44 =	vld.idx.msk [tilespmem:v39+s9+$0x0], $0xffff;
	v7 =	vadd.f32 v34, v7;
	v6 =	vadd.f32 v6, v8  }
0x51: {  	v3 =	vshrl.u32 v3, $0x10;
	v45 =	vld.idx.msk [tilespmem:v41+s2+$0x0], $0xffff  }
0x52: {  	v2 =	vld.idx.msk [tilespmem:v2+s11+$0x0], $0xffff;
	v7 =	vadd.f32 v37, v7;
	v6 =	vadd.f32 v38, v6  }
0x53: {  	v4 =	vld.idx.msk [tilespmem:v41+s9+$0x0], $0xffff;
	v46 =	vand.u32 $0xFFFF, v11  }
0x54: {  	v47 =	vld.idx.msk [tilespmem:v42+s2+$0x0], $0xffff;
	v7 =	vadd.f32 v40, v7;
	v5 =	vadd.f32 v5, v6  }
0x55: {  	v13 =	vld.idx.msk [tilespmem:v42+s9+$0x0], $0xffff;
	v11 =	vshrl.u32 v11, $0x10  }
0x56: {  	v48 =	vld.idx.msk [tilespmem:v3+s2+$0x0], $0xffff;
	v7 =	vadd.f32 v43, v7;
	v5 =	vadd.f32 v44, v5  }
0x57: {  	v3 =	vld.idx.msk [tilespmem:v3+s9+$0x0], $0xffff;
	v49 =	vand.u32 $0xFFFF, v2  }
0x58: {  	v50 =	vld.idx.msk [tilespmem:v46+s2+$0x0], $0xffff;
	v7 =	vadd.f32 v45, v7;
	v4 =	vadd.f32 v4, v5  }
0x59: {  	v2 =	vshrl.u32 v2, $0x10;
	v51 =	vld.idx.msk [tilespmem:v46+s9+$0x0], $0xffff  }
0x5a: {  	v52 =	vld.idx.msk [tilespmem:v11+s2+$0x0], $0xffff;
	v6 =	vadd.f32 v47, v7;
	v4 =	vadd.f32 v13, v4  }
0x5b: {  	v53 =	vld.idx.msk [tilespmem:v11+s9+$0x0], $0xffff  }
0x5c: {  	v54 =	vld.idx.msk [tilespmem:v49+s2+$0x0], $0xffff;
	v6 =	vadd.f32 v48, v6;
	v3 =	vadd.f32 v3, v4  }
0x5d: {  	v55 =	vld.idx.msk [tilespmem:v49+s9+$0x0], $0xffff  }
0x5e: {  	v56 =	vld.idx.msk [tilespmem:v2+s2+$0x0], $0xffff;
	v6 =	vadd.f32 v50, v6;
	v3 =	vadd.f32 v51, v3  }
0x5f: {  	v2 =	vld.idx.msk [tilespmem:v2+s9+$0x0], $0xffff  }
0x60: {  	v57 =	vadd.f32 v52, v6;
	v3 =	vadd.f32 v53, v3;
	_ =	sdelay $0x1  }
0x61: {  	v5 =	vadd.f32 v54, v57;
	v3 =	vadd.f32 v55, v3;
	_ =	sdelay $0x1  }
0x62: {  	v58 =	vadd.f32 v56, v5;
	v2 =	vadd.f32 v2, v3;
	_ =	sdelay $0x1  }
0x63: {  	v3 =	vmax.f32 v58, v2  }
0x64: {  	v3 =	vmax.f32 v3, $0.0e+00  }
0x65: {  	v4 =	vsub.f32 v58, v3  }
0x66: {  	v2 =	vsub.f32 v2, v3  }
0x67: {  	v4 =	vmul.f32 $1.442695020e+00, v4  }
0x68: {  	v3 =	vsub.f32 $0.0e+00, v3;
	v2 =	vmul.f32 $1.442695020e+00, v2  }
0x69: {  	(erf) = vpow2.f32 v4  }
0x6a: {  	(erf) = vpow2.f32 v2;
	v2 =	vmul.f32 $1.442695020e+00, v3;
	_ =	sdelay $0x1  }
0x6b: {  	(erf) = vpow2.f32 v2;
	_ =	sdelay $0x5  }
0x6c: {  	v2 =	vpop (erf)  }
0x6d: {  	v3 =	vpop (erf)  }
0x6e: {  	v59 =	vadd.f32 v3, v2  }
0x6f: {  	v60 =	vpop (erf)  }
0x70: {  	v4 =	vadd.f32 v59, v60;
	_ =	sdelay $0x1  }
0x71: {  	(erf) = vrcp.f32 v4;
	_ =	sdelay $0x5  }
0x72: {  	v1 =	vmul.u32 $0x3, v1;
	_ =	sdelay $0x1  }
0x73: {  	s14 =	sadd.s32 $0x1, s14;
	v61 =	vadd.s32 $0x1, v1  }
0x74: {  	p0 =	sne.s32 s14, $0x20;
	v63 =	vadd.s32 $0x2, v1;
	v62 =	vpop (erf)  }
.Ltmp1:
0x75: {  	v2 =	vmul.f32 v62, v2;
	(pc) =	sbr.rel @p0 .LBB2_2-.Ltmp1, $4  }
0x76: {  	v3 =	vmul.f32 v62, v3  }
0x77: {  	[tilespmem:v1+s12+$0x0] =	vst.idx.msk $0xffff, v2;
	v1 =	vmul.f32 v62, v60  }
0x78: {  	[tilespmem:v61+s12+$0x0] =	vst.idx.msk $0xffff, v3  }
0x79: {  	[tilespmem:v63+s12+$0x0] =	vst.idx.msk $0xffff, v1  }
0x7a: {  	s13 =	sadd.s32 $0x1, s13  }
0x7b: {  	p0 =	sne.s32 s13, s7  }
.Ltmp2:
0x7c: {  	_ = 	snop;
	(pc) =	sbr.rel @p0 .LBB2_1-.Ltmp2, $4  }
0x7d: {  	[hbm4b:s6+s2] =	stream.linear.scatter [tilespmem:s12], [sflag:$0x1], $0x600, $0x38;
	[tilespmem:$0xD600] =	vst v63  }
0x7e: {  	_ =	swait.ge [sflag:s10], $0x600  }
0x7f: {  	[sflag:s10] =	ssyncset.done $0x0  }
0x80: {  	[sflag:s10] =	ssyncadd.s32 $0xFFFFFA00  }
0x81: {  	_ =	sfence.sel $0x180000  }
0x82: {  	[bflag:$0x0] =	sbarrier.arrive $0xFFFF  }
0x83: {  	p0 =	sne.s32 s1, $0x0;
	_ =	strace $0x90000047  }
0x84: {  	s0 =	sadd.s32 @!p0 $0x100000, s0;
	[bflag:$0x2] =	sbarrier.arrive $0xFFFF  }
0x85: {  	[sflag:s0] =	ssyncadd.tile.s32 @!p0 $0x1;
	_ =	shalt  }
.Lfunc_end2:
_tile_overlayer_lowered:
.L_overlay_start_2:
0x86: {  	(tag) =	ssettag $0x2  }
0x87: {  	s0 =	rddreg [dreg:$0x0];
	s2 =	stileid.u32  }
0x88: {  	s1 =	rddreg [dreg:$0x1];
	p0 =	sne.s32 s2, $0x0  }
0x89: {  	s3 =	rddreg [dreg:$0x2];
	[bflag:$0x3] =	sbarrier.arrive $0xFFFF;
	s2 =	simm.s32 @!p0 $0x1C01  }
0x8a: {  	[timem:s3], [sflag:s2] =	dma.local @!p0 [hbm:s0], s1  }
0x8b: {  	s0 =	simm.s32 @!p0 $0x1  }
0x8c: {  	_ =	swait.ge @!p0 [sflag:s0], s1  }
0x8d: {  	s1 =	ssub.s32 @!p0 $0x0, s1;
	[sflag:s0] =	ssyncset.done @!p0 $0x0  }
0x8e: {  	[sflag:s0] =	ssyncadd.s32 @!p0 s1  }
0x8f: {  	[bflag:$0x3] =	sbarrier.arrive $0xFFFF  }
0x90: {  	_ =	shalt  }

</sc_bundles>
